<compile_context>
chip_gen: v7x
topology: tpu7x:2x2x1
jax: 0.10.2.dev20260603
libtpu: 0.0.44.dev20260713+nightly
codegen_flags: <defaults>
</compile_context>

<pallas_src>
import functools

import jax
import jax.numpy as jnp
from jax import lax
from jax.experimental import pallas as pl
from jax.experimental.pallas import tpu as pltpu
from jax.experimental.pallas import tpu_sc as plsc

_BATCH = 4
_SEQ = 8192
_D = 128
_B = _BATCH * _SEQ
_NW = 32
_B_PER_W = _B // _NW
_CHUNK = 128
_NCHUNK = _B_PER_W // _CHUNK
_NBUF = 4

_mesh = plsc.VectorSubcoreMesh(core_axis_name="c", subcore_axis_name="s")


@functools.partial(
    pl.kernel,
    mesh=_mesh,
    out_type=jax.ShapeDtypeStruct((_B, _D), jnp.float32),
    scratch_types=[
        pltpu.VMEM((_NCHUNK, _CHUNK), jnp.int32),
    ]
    + [pltpu.VMEM((_CHUNK, _D), jnp.float32) for _ in range(_NBUF)]
    + [pltpu.SemaphoreType.DMA for _ in range(2 * _NBUF)],
)
def _gather_kernel(idx_hbm, table_hbm, out_hbm, idx_v, *bufs_and_sems):
    bufs = bufs_and_sems[:_NBUF]
    gsem = bufs_and_sems[_NBUF:2 * _NBUF]
    wsem = bufs_and_sems[2 * _NBUF:]

    wid = lax.axis_index("s") * 2 + lax.axis_index("c")
    base = wid * _B_PER_W
    pltpu.sync_copy(idx_hbm.at[pl.ds(wid * _NCHUNK, _NCHUNK)], idx_v)

    def g_copy(i):
        return pltpu.make_async_copy(
            table_hbm.at[idx_v.at[i]], bufs[i % _NBUF], gsem[i % _NBUF])

    def w_copy(i):
        return pltpu.make_async_copy(
            bufs[i % _NBUF], out_hbm.at[pl.ds(base + i * _CHUNK, _CHUNK)],
            wsem[i % _NBUF])

    for i in range(_NBUF):
        g_copy(i).start()
    for i in range(_NCHUNK):
        g_copy(i).wait()
        w_copy(i).start()
        j = i - 1
        if 0 <= j < _NCHUNK - _NBUF:
            w_copy(j).wait()
            g_copy(j + _NBUF).start()
    for i in range(max(_NCHUNK - _NBUF, 0), _NCHUNK):
        w_copy(i).wait()


def kernel(x, pe):
    flat = _gather_kernel(x.reshape(_B // _CHUNK, _CHUNK), pe)
    return flat.reshape(_BATCH, _SEQ, _D)

# --- scband reference (transcript-rebuilt; emitter-appended) ---
"""Pipeline reference for scband-position-encoding-89429809037502 (READ-ONLY COPY).

The authoritative reference and input builder live on the scoring server;
editing this copy changes nothing except your own understanding.
"""

import jax, jax.numpy as jnp
import numpy as np

MAX_LENGTH = 8192
D_EMB = 128
BATCH = 4
SEQ = 8192

def setup_inputs(seed: int = 0) -> dict:
    key = jax.random.key(seed)
    k_idx, k_tab = jax.random.split(key)
    # position indices in [0, max_length)
    x = jax.random.randint(k_idx, (BATCH, SEQ), 0, MAX_LENGTH, dtype=jnp.int32)
    # learned positional embedding table (nn.Embedding weight); padding_idx=0 row is zero
    pe = jax.random.normal(k_tab, (MAX_LENGTH, D_EMB), dtype=jnp.float32)
    pe = pe.at[0].set(0.0)
    return {"x": x, "pe": pe}

def reference(x, pe):
    # nn.Embedding with padding_idx=0: row 0 is pinned to zeros
    table = pe.at[0].set(0.0)
    out = jnp.take(table, x, axis=0)  # gather -> SparseCore embedding lookup
    # nn.Dropout is identity in eval mode (deterministic reference)
    return out

if __name__ == "__main__":
    import jax
    _d = setup_inputs()
    print(jax.jit(kernel)(*tuple(_d.values())))

</pallas_src>

<mosaic_0001>
#map = affine_map<(d0, d1) -> (0, 0)>
module attributes {stable_mosaic.version = 14 : i64} {
  func.func @_gather_kernel(%arg0: i32, %arg1: i32, %arg2: memref<256x128xi32, #tpu.memory_space<hbm>>, %arg3: memref<8192x128xf32, #tpu.memory_space<hbm>>, %arg4: memref<32768x128xf32, #tpu.memory_space<hbm>>, %arg5: memref<8x128xi32, #tpu.memory_space<vmem>>, %arg6: memref<128x128xf32, #tpu.memory_space<vmem>>, %arg7: memref<128x128xf32, #tpu.memory_space<vmem>>, %arg8: memref<128x128xf32, #tpu.memory_space<vmem>>, %arg9: memref<128x128xf32, #tpu.memory_space<vmem>>, %arg10: memref<!tpu.dma_semaphore, #tpu.memory_space<semaphore_mem>>, %arg11: memref<!tpu.dma_semaphore, #tpu.memory_space<semaphore_mem>>, %arg12: memref<!tpu.dma_semaphore, #tpu.memory_space<semaphore_mem>>, %arg13: memref<!tpu.dma_semaphore, #tpu.memory_space<semaphore_mem>>, %arg14: memref<!tpu.dma_semaphore, #tpu.memory_space<semaphore_mem>>, %arg15: memref<!tpu.dma_semaphore, #tpu.memory_space<semaphore_mem>>, %arg16: memref<!tpu.dma_semaphore, #tpu.memory_space<semaphore_mem>>, %arg17: memref<!tpu.dma_semaphore, #tpu.memory_space<semaphore_mem>>) attributes {dimension_semantics = [#tpu.dimension_semantics<core_parallel>, #tpu.dimension_semantics<subcore_parallel>], iteration_bounds = array<i64: 2, 16>, scalar_prefetch = 0 : i64, scratch_operands = 13 : i64, tpu.core_type = #tpu.core_type<sc_vector_subcore>, window_params = [{transform_indices = #map}, {transform_indices = #map}, {transform_indices = #map}]} {
    %mul3A = arith.constant 2 : i32
    %mul3A_0 = arith.muli %arg1, %mul3A : i32
    %add3A = arith.addi %mul3A_0, %arg0 : i32
    %mul3A_1 = arith.constant 1024 : i32
    %mul3A_2 = arith.muli %add3A, %mul3A_1 : i32
    %mul3A_3 = arith.constant 8 : i32
    %mul3A_4 = arith.muli %add3A, %mul3A_3 : i32
    "tpu.region"() ({
      %run_scoped3A = tpu.sem_alloc : memref<!tpu.dma_semaphore, #tpu.memory_space<semaphore_mem>>
      %dma_start3A_211 = arith.constant 0 : i32
      %dma_start3A_212 = tpu.memref_slice %arg2[%mul3A_4, %dma_start3A_211] : memref<256x128xi32, #tpu.memory_space<hbm>> -> memref<8x128xi32, #tpu.memory_space<hbm>>
      %dma_start3A_213 = arith.constant 0 : i32
      %dma_start3A_214 = tpu.memref_slice %arg2[%mul3A_4, %dma_start3A_213] : memref<256x128xi32, #tpu.memory_space<hbm>> -> memref<8x128xi32, #tpu.memory_space<hbm>>
      tpu.enqueue_dma source(%dma_start3A_214 : memref<8x128xi32, #tpu.memory_space<hbm>>) target(%arg5 : memref<8x128xi32, #tpu.memory_space<vmem>>) target_semaphore(%run_scoped3A : memref<!tpu.dma_semaphore, #tpu.memory_space<semaphore_mem>>)
      %dma_wait3A_215 = arith.constant 0 : i32
      %dma_wait3A_216 = tpu.memref_slice %arg2[%mul3A_4, %dma_wait3A_215] : memref<256x128xi32, #tpu.memory_space<hbm>> -> memref<8x128xi32, #tpu.memory_space<hbm>>
      %dma_wait3A_217 = arith.constant 0 : i32
      %dma_wait3A_218 = tpu.memref_slice %arg2[%mul3A_4, %dma_wait3A_217] : memref<256x128xi32, #tpu.memory_space<hbm>> -> memref<8x128xi32, #tpu.memory_space<hbm>>
      tpu.wait_dma2 semaphore(%run_scoped3A : memref<!tpu.dma_semaphore, #tpu.memory_space<semaphore_mem>>) src(%dma_wait3A_218 : memref<8x128xi32, #tpu.memory_space<hbm>>) dst(%arg5 : memref<8x128xi32, #tpu.memory_space<vmem>>)
      tpu.yield
    }) : () -> ()
    %dma_start3A = arith.constant 0 : i32
    %dma_start3A_5 = arith.constant 0 : i32
    %dma_start3A_6 = tpu.memref_slice %arg5[%dma_start3A, %dma_start3A_5] : memref<8x128xi32, #tpu.memory_space<vmem>> -> memref<1x128xi32, #tpu.memory_space<vmem>>
    %dma_start3A_7 = tpu.memref_squeeze %dma_start3A_6 : memref<1x128xi32, #tpu.memory_space<vmem>> -> memref<128xi32, #tpu.memory_space<vmem>>
    %dma_start3A_8 = arith.constant 0 : i32
    %dma_start3A_9 = arith.constant 0 : i32
    %dma_start3A_10 = tpu.memref_slice %arg3[%dma_start3A_8, %dma_start3A_9] : memref<8192x128xf32, #tpu.memory_space<hbm>> -> memref<8192x128xf32, #tpu.memory_space<hbm>>
    tpu.enqueue_indirect_dma source(%dma_start3A_10 : memref<8192x128xf32, #tpu.memory_space<hbm>>) target(%arg6 : memref<128x128xf32, #tpu.memory_space<vmem>>) offsets(%dma_start3A_7 : memref<128xi32, #tpu.memory_space<vmem>>) semaphore(%arg10 : memref<!tpu.dma_semaphore, #tpu.memory_space<semaphore_mem>>)
    %dma_start3A_11 = arith.constant 1 : i32
    %dma_start3A_12 = arith.constant 0 : i32
    %dma_start3A_13 = tpu.memref_slice %arg5[%dma_start3A_11, %dma_start3A_12] : memref<8x128xi32, #tpu.memory_space<vmem>> -> memref<1x128xi32, #tpu.memory_space<vmem>>
    %dma_start3A_14 = tpu.memref_squeeze %dma_start3A_13 : memref<1x128xi32, #tpu.memory_space<vmem>> -> memref<128xi32, #tpu.memory_space<vmem>>
    %dma_start3A_15 = arith.constant 0 : i32
    %dma_start3A_16 = arith.constant 0 : i32
    %dma_start3A_17 = tpu.memref_slice %arg3[%dma_start3A_15, %dma_start3A_16] : memref<8192x128xf32, #tpu.memory_space<hbm>> -> memref<8192x128xf32, #tpu.memory_space<hbm>>
    tpu.enqueue_indirect_dma source(%dma_start3A_17 : memref<8192x128xf32, #tpu.memory_space<hbm>>) target(%arg7 : memref<128x128xf32, #tpu.memory_space<vmem>>) offsets(%dma_start3A_14 : memref<128xi32, #tpu.memory_space<vmem>>) semaphore(%arg11 : memref<!tpu.dma_semaphore, #tpu.memory_space<semaphore_mem>>)
    %dma_start3A_18 = arith.constant 2 : i32
    %dma_start3A_19 = arith.constant 0 : i32
    %dma_start3A_20 = tpu.memref_slice %arg5[%dma_start3A_18, %dma_start3A_19] : memref<8x128xi32, #tpu.memory_space<vmem>> -> memref<1x128xi32, #tpu.memory_space<vmem>>
    %dma_start3A_21 = tpu.memref_squeeze %dma_start3A_20 : memref<1x128xi32, #tpu.memory_space<vmem>> -> memref<128xi32, #tpu.memory_space<vmem>>
    %dma_start3A_22 = arith.constant 0 : i32
    %dma_start3A_23 = arith.constant 0 : i32
    %dma_start3A_24 = tpu.memref_slice %arg3[%dma_start3A_22, %dma_start3A_23] : memref<8192x128xf32, #tpu.memory_space<hbm>> -> memref<8192x128xf32, #tpu.memory_space<hbm>>
    tpu.enqueue_indirect_dma source(%dma_start3A_24 : memref<8192x128xf32, #tpu.memory_space<hbm>>) target(%arg8 : memref<128x128xf32, #tpu.memory_space<vmem>>) offsets(%dma_start3A_21 : memref<128xi32, #tpu.memory_space<vmem>>) semaphore(%arg12 : memref<!tpu.dma_semaphore, #tpu.memory_space<semaphore_mem>>)
    %dma_start3A_25 = arith.constant 3 : i32
    %dma_start3A_26 = arith.constant 0 : i32
    %dma_start3A_27 = tpu.memref_slice %arg5[%dma_start3A_25, %dma_start3A_26] : memref<8x128xi32, #tpu.memory_space<vmem>> -> memref<1x128xi32, #tpu.memory_space<vmem>>
    %dma_start3A_28 = tpu.memref_squeeze %dma_start3A_27 : memref<1x128xi32, #tpu.memory_space<vmem>> -> memref<128xi32, #tpu.memory_space<vmem>>
    %dma_start3A_29 = arith.constant 0 : i32
    %dma_start3A_30 = arith.constant 0 : i32
    %dma_start3A_31 = tpu.memref_slice %arg3[%dma_start3A_29, %dma_start3A_30] : memref<8192x128xf32, #tpu.memory_space<hbm>> -> memref<8192x128xf32, #tpu.memory_space<hbm>>
    tpu.enqueue_indirect_dma source(%dma_start3A_31 : memref<8192x128xf32, #tpu.memory_space<hbm>>) target(%arg9 : memref<128x128xf32, #tpu.memory_space<vmem>>) offsets(%dma_start3A_28 : memref<128xi32, #tpu.memory_space<vmem>>) semaphore(%arg13 : memref<!tpu.dma_semaphore, #tpu.memory_space<semaphore_mem>>)
    %dma_wait3A = arith.constant 0 : i32
    %dma_wait3A_32 = arith.constant 0 : i32
    %dma_wait3A_33 = tpu.memref_slice %arg5[%dma_wait3A, %dma_wait3A_32] : memref<8x128xi32, #tpu.memory_space<vmem>> -> memref<1x128xi32, #tpu.memory_space<vmem>>
    %dma_wait3A_34 = tpu.memref_squeeze %dma_wait3A_33 : memref<1x128xi32, #tpu.memory_space<vmem>> -> memref<128xi32, #tpu.memory_space<vmem>>
    %dma_wait3A_35 = arith.constant 0 : i32
    %dma_wait3A_36 = arith.constant 0 : i32
    %dma_wait3A_37 = tpu.memref_slice %arg3[%dma_wait3A_35, %dma_wait3A_36] : memref<8192x128xf32, #tpu.memory_space<hbm>> -> memref<8192x128xf32, #tpu.memory_space<hbm>>
    tpu.wait_indirect_dma semaphore(%arg10 : memref<!tpu.dma_semaphore, #tpu.memory_space<semaphore_mem>>) src(%dma_wait3A_37 : memref<8192x128xf32, #tpu.memory_space<hbm>>) dst(%arg6 : memref<128x128xf32, #tpu.memory_space<vmem>>)
    %add3A_38 = arith.constant 0 : i32
    %add3A_39 = arith.addi %mul3A_2, %add3A_38 : i32
    %dma_start3A_40 = arith.constant 0 : i32
    %dma_start3A_41 = tpu.memref_slice %arg4[%add3A_39, %dma_start3A_40] : memref<32768x128xf32, #tpu.memory_space<hbm>> -> memref<128x128xf32, #tpu.memory_space<hbm>>
    %dma_start3A_42 = arith.constant 0 : i32
    %dma_start3A_43 = tpu.memref_slice %arg4[%add3A_39, %dma_start3A_42] : memref<32768x128xf32, #tpu.memory_space<hbm>> -> memref<128x128xf32, #tpu.memory_space<hbm>>
    tpu.enqueue_dma source(%arg6 : memref<128x128xf32, #tpu.memory_space<vmem>>) target(%dma_start3A_43 : memref<128x128xf32, #tpu.memory_space<hbm>>) target_semaphore(%arg14 : memref<!tpu.dma_semaphore, #tpu.memory_space<semaphore_mem>>)
    %dma_wait3A_44 = arith.constant 1 : i32
    %dma_wait3A_45 = arith.constant 0 : i32
    %dma_wait3A_46 = tpu.memref_slice %arg5[%dma_wait3A_44, %dma_wait3A_45] : memref<8x128xi32, #tpu.memory_space<vmem>> -> memref<1x128xi32, #tpu.memory_space<vmem>>
    %dma_wait3A_47 = tpu.memref_squeeze %dma_wait3A_46 : memref<1x128xi32, #tpu.memory_space<vmem>> -> memref<128xi32, #tpu.memory_space<vmem>>
    %dma_wait3A_48 = arith.constant 0 : i32
    %dma_wait3A_49 = arith.constant 0 : i32
    %dma_wait3A_50 = tpu.memref_slice %arg3[%dma_wait3A_48, %dma_wait3A_49] : memref<8192x128xf32, #tpu.memory_space<hbm>> -> memref<8192x128xf32, #tpu.memory_space<hbm>>
    tpu.wait_indirect_dma semaphore(%arg11 : memref<!tpu.dma_semaphore, #tpu.memory_space<semaphore_mem>>) src(%dma_wait3A_50 : memref<8192x128xf32, #tpu.memory_space<hbm>>) dst(%arg7 : memref<128x128xf32, #tpu.memory_space<vmem>>)
    %add3A_51 = arith.constant 128 : i32
    %add3A_52 = arith.addi %mul3A_2, %add3A_51 : i32
    %dma_start3A_53 = arith.constant 0 : i32
    %dma_start3A_54 = tpu.memref_slice %arg4[%add3A_52, %dma_start3A_53] : memref<32768x128xf32, #tpu.memory_space<hbm>> -> memref<128x128xf32, #tpu.memory_space<hbm>>
    %dma_start3A_55 = arith.constant 0 : i32
    %dma_start3A_56 = tpu.memref_slice %arg4[%add3A_52, %dma_start3A_55] : memref<32768x128xf32, #tpu.memory_space<hbm>> -> memref<128x128xf32, #tpu.memory_space<hbm>>
    tpu.enqueue_dma source(%arg7 : memref<128x128xf32, #tpu.memory_space<vmem>>) target(%dma_start3A_56 : memref<128x128xf32, #tpu.memory_space<hbm>>) target_semaphore(%arg15 : memref<!tpu.dma_semaphore, #tpu.memory_space<semaphore_mem>>)
    %add3A_57 = arith.constant 0 : i32
    %add3A_58 = arith.addi %mul3A_2, %add3A_57 : i32
    %dma_wait3A_59 = arith.constant 0 : i32
    %dma_wait3A_60 = tpu.memref_slice %arg4[%add3A_58, %dma_wait3A_59] : memref<32768x128xf32, #tpu.memory_space<hbm>> -> memref<128x128xf32, #tpu.memory_space<hbm>>
    %dma_wait3A_61 = arith.constant 0 : i32
    %dma_wait3A_62 = tpu.memref_slice %arg4[%add3A_58, %dma_wait3A_61] : memref<32768x128xf32, #tpu.memory_space<hbm>> -> memref<128x128xf32, #tpu.memory_space<hbm>>
    tpu.wait_dma2 semaphore(%arg14 : memref<!tpu.dma_semaphore, #tpu.memory_space<semaphore_mem>>) src(%arg6 : memref<128x128xf32, #tpu.memory_space<vmem>>) dst(%dma_wait3A_62 : memref<128x128xf32, #tpu.memory_space<hbm>>)
    %dma_start3A_63 = arith.constant 4 : i32
    %dma_start3A_64 = arith.constant 0 : i32
    %dma_start3A_65 = tpu.memref_slice %arg5[%dma_start3A_63, %dma_start3A_64] : memref<8x128xi32, #tpu.memory_space<vmem>> -> memref<1x128xi32, #tpu.memory_space<vmem>>
    %dma_start3A_66 = tpu.memref_squeeze %dma_start3A_65 : memref<1x128xi32, #tpu.memory_space<vmem>> -> memref<128xi32, #tpu.memory_space<vmem>>
    %dma_start3A_67 = arith.constant 0 : i32
    %dma_start3A_68 = arith.constant 0 : i32
    %dma_start3A_69 = tpu.memref_slice %arg3[%dma_start3A_67, %dma_start3A_68] : memref<8192x128xf32, #tpu.memory_space<hbm>> -> memref<8192x128xf32, #tpu.memory_space<hbm>>
    tpu.enqueue_indirect_dma source(%dma_start3A_69 : memref<8192x128xf32, #tpu.memory_space<hbm>>) target(%arg6 : memref<128x128xf32, #tpu.memory_space<vmem>>) offsets(%dma_start3A_66 : memref<128xi32, #tpu.memory_space<vmem>>) semaphore(%arg10 : memref<!tpu.dma_semaphore, #tpu.memory_space<semaphore_mem>>)
    %dma_wait3A_70 = arith.constant 2 : i32
    %dma_wait3A_71 = arith.constant 0 : i32
    %dma_wait3A_72 = tpu.memref_slice %arg5[%dma_wait3A_70, %dma_wait3A_71] : memref<8x128xi32, #tpu.memory_space<vmem>> -> memref<1x128xi32, #tpu.memory_space<vmem>>
    %dma_wait3A_73 = tpu.memref_squeeze %dma_wait3A_72 : memref<1x128xi32, #tpu.memory_space<vmem>> -> memref<128xi32, #tpu.memory_space<vmem>>
    %dma_wait3A_74 = arith.constant 0 : i32
    %dma_wait3A_75 = arith.constant 0 : i32
    %dma_wait3A_76 = tpu.memref_slice %arg3[%dma_wait3A_74, %dma_wait3A_75] : memref<8192x128xf32, #tpu.memory_space<hbm>> -> memref<8192x128xf32, #tpu.memory_space<hbm>>
    tpu.wait_indirect_dma semaphore(%arg12 : memref<!tpu.dma_semaphore, #tpu.memory_space<semaphore_mem>>) src(%dma_wait3A_76 : memref<8192x128xf32, #tpu.memory_space<hbm>>) dst(%arg8 : memref<128x128xf32, #tpu.memory_space<vmem>>)
    %add3A_77 = arith.constant 256 : i32
    %add3A_78 = arith.addi %mul3A_2, %add3A_77 : i32
    %dma_start3A_79 = arith.constant 0 : i32
    %dma_start3A_80 = tpu.memref_slice %arg4[%add3A_78, %dma_start3A_79] : memref<32768x128xf32, #tpu.memory_space<hbm>> -> memref<128x128xf32, #tpu.memory_space<hbm>>
    %dma_start3A_81 = arith.constant 0 : i32
    %dma_start3A_82 = tpu.memref_slice %arg4[%add3A_78, %dma_start3A_81] : memref<32768x128xf32, #tpu.memory_space<hbm>> -> memref<128x128xf32, #tpu.memory_space<hbm>>
    tpu.enqueue_dma source(%arg8 : memref<128x128xf32, #tpu.memory_space<vmem>>) target(%dma_start3A_82 : memref<128x128xf32, #tpu.memory_space<hbm>>) target_semaphore(%arg16 : memref<!tpu.dma_semaphore, #tpu.memory_space<semaphore_mem>>)
    %add3A_83 = arith.constant 128 : i32
    %add3A_84 = arith.addi %mul3A_2, %add3A_83 : i32
    %dma_wait3A_85 = arith.constant 0 : i32
    %dma_wait3A_86 = tpu.memref_slice %arg4[%add3A_84, %dma_wait3A_85] : memref<32768x128xf32, #tpu.memory_space<hbm>> -> memref<128x128xf32, #tpu.memory_space<hbm>>
    %dma_wait3A_87 = arith.constant 0 : i32
    %dma_wait3A_88 = tpu.memref_slice %arg4[%add3A_84, %dma_wait3A_87] : memref<32768x128xf32, #tpu.memory_space<hbm>> -> memref<128x128xf32, #tpu.memory_space<hbm>>
    tpu.wait_dma2 semaphore(%arg15 : memref<!tpu.dma_semaphore, #tpu.memory_space<semaphore_mem>>) src(%arg7 : memref<128x128xf32, #tpu.memory_space<vmem>>) dst(%dma_wait3A_88 : memref<128x128xf32, #tpu.memory_space<hbm>>)
    %dma_start3A_89 = arith.constant 5 : i32
    %dma_start3A_90 = arith.constant 0 : i32
    %dma_start3A_91 = tpu.memref_slice %arg5[%dma_start3A_89, %dma_start3A_90] : memref<8x128xi32, #tpu.memory_space<vmem>> -> memref<1x128xi32, #tpu.memory_space<vmem>>
    %dma_start3A_92 = tpu.memref_squeeze %dma_start3A_91 : memref<1x128xi32, #tpu.memory_space<vmem>> -> memref<128xi32, #tpu.memory_space<vmem>>
    %dma_start3A_93 = arith.constant 0 : i32
    %dma_start3A_94 = arith.constant 0 : i32
    %dma_start3A_95 = tpu.memref_slice %arg3[%dma_start3A_93, %dma_start3A_94] : memref<8192x128xf32, #tpu.memory_space<hbm>> -> memref<8192x128xf32, #tpu.memory_space<hbm>>
    tpu.enqueue_indirect_dma source(%dma_start3A_95 : memref<8192x128xf32, #tpu.memory_space<hbm>>) target(%arg7 : memref<128x128xf32, #tpu.memory_space<vmem>>) offsets(%dma_start3A_92 : memref<128xi32, #tpu.memory_space<vmem>>) semaphore(%arg11 : memref<!tpu.dma_semaphore, #tpu.memory_space<semaphore_mem>>)
    %dma_wait3A_96 = arith.constant 3 : i32
    %dma_wait3A_97 = arith.constant 0 : i32
    %dma_wait3A_98 = tpu.memref_slice %arg5[%dma_wait3A_96, %dma_wait3A_97] : memref<8x128xi32, #tpu.memory_space<vmem>> -> memref<1x128xi32, #tpu.memory_space<vmem>>
    %dma_wait3A_99 = tpu.memref_squeeze %dma_wait3A_98 : memref<1x128xi32, #tpu.memory_space<vmem>> -> memref<128xi32, #tpu.memory_space<vmem>>
    %dma_wait3A_100 = arith.constant 0 : i32
    %dma_wait3A_101 = arith.constant 0 : i32
    %dma_wait3A_102 = tpu.memref_slice %arg3[%dma_wait3A_100, %dma_wait3A_101] : memref<8192x128xf32, #tpu.memory_space<hbm>> -> memref<8192x128xf32, #tpu.memory_space<hbm>>
    tpu.wait_indirect_dma semaphore(%arg13 : memref<!tpu.dma_semaphore, #tpu.memory_space<semaphore_mem>>) src(%dma_wait3A_102 : memref<8192x128xf32, #tpu.memory_space<hbm>>) dst(%arg9 : memref<128x128xf32, #tpu.memory_space<vmem>>)
    %add3A_103 = arith.constant 384 : i32
    %add3A_104 = arith.addi %mul3A_2, %add3A_103 : i32
    %dma_start3A_105 = arith.constant 0 : i32
    %dma_start3A_106 = tpu.memref_slice %arg4[%add3A_104, %dma_start3A_105] : memref<32768x128xf32, #tpu.memory_space<hbm>> -> memref<128x128xf32, #tpu.memory_space<hbm>>
    %dma_start3A_107 = arith.constant 0 : i32
    %dma_start3A_108 = tpu.memref_slice %arg4[%add3A_104, %dma_start3A_107] : memref<32768x128xf32, #tpu.memory_space<hbm>> -> memref<128x128xf32, #tpu.memory_space<hbm>>
    tpu.enqueue_dma source(%arg9 : memref<128x128xf32, #tpu.memory_space<vmem>>) target(%dma_start3A_108 : memref<128x128xf32, #tpu.memory_space<hbm>>) target_semaphore(%arg17 : memref<!tpu.dma_semaphore, #tpu.memory_space<semaphore_mem>>)
    %add3A_109 = arith.constant 256 : i32
    %add3A_110 = arith.addi %mul3A_2, %add3A_109 : i32
    %dma_wait3A_111 = arith.constant 0 : i32
    %dma_wait3A_112 = tpu.memref_slice %arg4[%add3A_110, %dma_wait3A_111] : memref<32768x128xf32, #tpu.memory_space<hbm>> -> memref<128x128xf32, #tpu.memory_space<hbm>>
    %dma_wait3A_113 = arith.constant 0 : i32
    %dma_wait3A_114 = tpu.memref_slice %arg4[%add3A_110, %dma_wait3A_113] : memref<32768x128xf32, #tpu.memory_space<hbm>> -> memref<128x128xf32, #tpu.memory_space<hbm>>
    tpu.wait_dma2 semaphore(%arg16 : memref<!tpu.dma_semaphore, #tpu.memory_space<semaphore_mem>>) src(%arg8 : memref<128x128xf32, #tpu.memory_space<vmem>>) dst(%dma_wait3A_114 : memref<128x128xf32, #tpu.memory_space<hbm>>)
    %dma_start3A_115 = arith.constant 6 : i32
    %dma_start3A_116 = arith.constant 0 : i32
    %dma_start3A_117 = tpu.memref_slice %arg5[%dma_start3A_115, %dma_start3A_116] : memref<8x128xi32, #tpu.memory_space<vmem>> -> memref<1x128xi32, #tpu.memory_space<vmem>>
    %dma_start3A_118 = tpu.memref_squeeze %dma_start3A_117 : memref<1x128xi32, #tpu.memory_space<vmem>> -> memref<128xi32, #tpu.memory_space<vmem>>
    %dma_start3A_119 = arith.constant 0 : i32
    %dma_start3A_120 = arith.constant 0 : i32
    %dma_start3A_121 = tpu.memref_slice %arg3[%dma_start3A_119, %dma_start3A_120] : memref<8192x128xf32, #tpu.memory_space<hbm>> -> memref<8192x128xf32, #tpu.memory_space<hbm>>
    tpu.enqueue_indirect_dma source(%dma_start3A_121 : memref<8192x128xf32, #tpu.memory_space<hbm>>) target(%arg8 : memref<128x128xf32, #tpu.memory_space<vmem>>) offsets(%dma_start3A_118 : memref<128xi32, #tpu.memory_space<vmem>>) semaphore(%arg12 : memref<!tpu.dma_semaphore, #tpu.memory_space<semaphore_mem>>)
    %dma_wait3A_122 = arith.constant 4 : i32
    %dma_wait3A_123 = arith.constant 0 : i32
    %dma_wait3A_124 = tpu.memref_slice %arg5[%dma_wait3A_122, %dma_wait3A_123] : memref<8x128xi32, #tpu.memory_space<vmem>> -> memref<1x128xi32, #tpu.memory_space<vmem>>
    %dma_wait3A_125 = tpu.memref_squeeze %dma_wait3A_124 : memref<1x128xi32, #tpu.memory_space<vmem>> -> memref<128xi32, #tpu.memory_space<vmem>>
    %dma_wait3A_126 = arith.constant 0 : i32
    %dma_wait3A_127 = arith.constant 0 : i32
    %dma_wait3A_128 = tpu.memref_slice %arg3[%dma_wait3A_126, %dma_wait3A_127] : memref<8192x128xf32, #tpu.memory_space<hbm>> -> memref<8192x128xf32, #tpu.memory_space<hbm>>
    tpu.wait_indirect_dma semaphore(%arg10 : memref<!tpu.dma_semaphore, #tpu.memory_space<semaphore_mem>>) src(%dma_wait3A_128 : memref<8192x128xf32, #tpu.memory_space<hbm>>) dst(%arg6 : memref<128x128xf32, #tpu.memory_space<vmem>>)
    %add3A_129 = arith.constant 512 : i32
    %add3A_130 = arith.addi %mul3A_2, %add3A_129 : i32
    %dma_start3A_131 = arith.constant 0 : i32
    %dma_start3A_132 = tpu.memref_slice %arg4[%add3A_130, %dma_start3A_131] : memref<32768x128xf32, #tpu.memory_space<hbm>> -> memref<128x128xf32, #tpu.memory_space<hbm>>
    %dma_start3A_133 = arith.constant 0 : i32
    %dma_start3A_134 = tpu.memref_slice %arg4[%add3A_130, %dma_start3A_133] : memref<32768x128xf32, #tpu.memory_space<hbm>> -> memref<128x128xf32, #tpu.memory_space<hbm>>
    tpu.enqueue_dma source(%arg6 : memref<128x128xf32, #tpu.memory_space<vmem>>) target(%dma_start3A_134 : memref<128x128xf32, #tpu.memory_space<hbm>>) target_semaphore(%arg14 : memref<!tpu.dma_semaphore, #tpu.memory_space<semaphore_mem>>)
    %add3A_135 = arith.constant 384 : i32
    %add3A_136 = arith.addi %mul3A_2, %add3A_135 : i32
    %dma_wait3A_137 = arith.constant 0 : i32
    %dma_wait3A_138 = tpu.memref_slice %arg4[%add3A_136, %dma_wait3A_137] : memref<32768x128xf32, #tpu.memory_space<hbm>> -> memref<128x128xf32, #tpu.memory_space<hbm>>
    %dma_wait3A_139 = arith.constant 0 : i32
    %dma_wait3A_140 = tpu.memref_slice %arg4[%add3A_136, %dma_wait3A_139] : memref<32768x128xf32, #tpu.memory_space<hbm>> -> memref<128x128xf32, #tpu.memory_space<hbm>>
    tpu.wait_dma2 semaphore(%arg17 : memref<!tpu.dma_semaphore, #tpu.memory_space<semaphore_mem>>) src(%arg9 : memref<128x128xf32, #tpu.memory_space<vmem>>) dst(%dma_wait3A_140 : memref<128x128xf32, #tpu.memory_space<hbm>>)
    %dma_start3A_141 = arith.constant 7 : i32
    %dma_start3A_142 = arith.constant 0 : i32
    %dma_start3A_143 = tpu.memref_slice %arg5[%dma_start3A_141, %dma_start3A_142] : memref<8x128xi32, #tpu.memory_space<vmem>> -> memref<1x128xi32, #tpu.memory_space<vmem>>
    %dma_start3A_144 = tpu.memref_squeeze %dma_start3A_143 : memref<1x128xi32, #tpu.memory_space<vmem>> -> memref<128xi32, #tpu.memory_space<vmem>>
    %dma_start3A_145 = arith.constant 0 : i32
    %dma_start3A_146 = arith.constant 0 : i32
    %dma_start3A_147 = tpu.memref_slice %arg3[%dma_start3A_145, %dma_start3A_146] : memref<8192x128xf32, #tpu.memory_space<hbm>> -> memref<8192x128xf32, #tpu.memory_space<hbm>>
    tpu.enqueue_indirect_dma source(%dma_start3A_147 : memref<8192x128xf32, #tpu.memory_space<hbm>>) target(%arg9 : memref<128x128xf32, #tpu.memory_space<vmem>>) offsets(%dma_start3A_144 : memref<128xi32, #tpu.memory_space<vmem>>) semaphore(%arg13 : memref<!tpu.dma_semaphore, #tpu.memory_space<semaphore_mem>>)
    %dma_wait3A_148 = arith.constant 5 : i32
    %dma_wait3A_149 = arith.constant 0 : i32
    %dma_wait3A_150 = tpu.memref_slice %arg5[%dma_wait3A_148, %dma_wait3A_149] : memref<8x128xi32, #tpu.memory_space<vmem>> -> memref<1x128xi32, #tpu.memory_space<vmem>>
    %dma_wait3A_151 = tpu.memref_squeeze %dma_wait3A_150 : memref<1x128xi32, #tpu.memory_space<vmem>> -> memref<128xi32, #tpu.memory_space<vmem>>
    %dma_wait3A_152 = arith.constant 0 : i32
    %dma_wait3A_153 = arith.constant 0 : i32
    %dma_wait3A_154 = tpu.memref_slice %arg3[%dma_wait3A_152, %dma_wait3A_153] : memref<8192x128xf32, #tpu.memory_space<hbm>> -> memref<8192x128xf32, #tpu.memory_space<hbm>>
    tpu.wait_indirect_dma semaphore(%arg11 : memref<!tpu.dma_semaphore, #tpu.memory_space<semaphore_mem>>) src(%dma_wait3A_154 : memref<8192x128xf32, #tpu.memory_space<hbm>>) dst(%arg7 : memref<128x128xf32, #tpu.memory_space<vmem>>)
    %add3A_155 = arith.constant 640 : i32
    %add3A_156 = arith.addi %mul3A_2, %add3A_155 : i32
    %dma_start3A_157 = arith.constant 0 : i32
    %dma_start3A_158 = tpu.memref_slice %arg4[%add3A_156, %dma_start3A_157] : memref<32768x128xf32, #tpu.memory_space<hbm>> -> memref<128x128xf32, #tpu.memory_space<hbm>>
    %dma_start3A_159 = arith.constant 0 : i32
    %dma_start3A_160 = tpu.memref_slice %arg4[%add3A_156, %dma_start3A_159] : memref<32768x128xf32, #tpu.memory_space<hbm>> -> memref<128x128xf32, #tpu.memory_space<hbm>>
    tpu.enqueue_dma source(%arg7 : memref<128x128xf32, #tpu.memory_space<vmem>>) target(%dma_start3A_160 : memref<128x128xf32, #tpu.memory_space<hbm>>) target_semaphore(%arg15 : memref<!tpu.dma_semaphore, #tpu.memory_space<semaphore_mem>>)
    %dma_wait3A_161 = arith.constant 6 : i32
    %dma_wait3A_162 = arith.constant 0 : i32
    %dma_wait3A_163 = tpu.memref_slice %arg5[%dma_wait3A_161, %dma_wait3A_162] : memref<8x128xi32, #tpu.memory_space<vmem>> -> memref<1x128xi32, #tpu.memory_space<vmem>>
    %dma_wait3A_164 = tpu.memref_squeeze %dma_wait3A_163 : memref<1x128xi32, #tpu.memory_space<vmem>> -> memref<128xi32, #tpu.memory_space<vmem>>
    %dma_wait3A_165 = arith.constant 0 : i32
    %dma_wait3A_166 = arith.constant 0 : i32
    %dma_wait3A_167 = tpu.memref_slice %arg3[%dma_wait3A_165, %dma_wait3A_166] : memref<8192x128xf32, #tpu.memory_space<hbm>> -> memref<8192x128xf32, #tpu.memory_space<hbm>>
    tpu.wait_indirect_dma semaphore(%arg12 : memref<!tpu.dma_semaphore, #tpu.memory_space<semaphore_mem>>) src(%dma_wait3A_167 : memref<8192x128xf32, #tpu.memory_space<hbm>>) dst(%arg8 : memref<128x128xf32, #tpu.memory_space<vmem>>)
    %add3A_168 = arith.constant 768 : i32
    %add3A_169 = arith.addi %mul3A_2, %add3A_168 : i32
    %dma_start3A_170 = arith.constant 0 : i32
    %dma_start3A_171 = tpu.memref_slice %arg4[%add3A_169, %dma_start3A_170] : memref<32768x128xf32, #tpu.memory_space<hbm>> -> memref<128x128xf32, #tpu.memory_space<hbm>>
    %dma_start3A_172 = arith.constant 0 : i32
    %dma_start3A_173 = tpu.memref_slice %arg4[%add3A_169, %dma_start3A_172] : memref<32768x128xf32, #tpu.memory_space<hbm>> -> memref<128x128xf32, #tpu.memory_space<hbm>>
    tpu.enqueue_dma source(%arg8 : memref<128x128xf32, #tpu.memory_space<vmem>>) target(%dma_start3A_173 : memref<128x128xf32, #tpu.memory_space<hbm>>) target_semaphore(%arg16 : memref<!tpu.dma_semaphore, #tpu.memory_space<semaphore_mem>>)
    %dma_wait3A_174 = arith.constant 7 : i32
    %dma_wait3A_175 = arith.constant 0 : i32
    %dma_wait3A_176 = tpu.memref_slice %arg5[%dma_wait3A_174, %dma_wait3A_175] : memref<8x128xi32, #tpu.memory_space<vmem>> -> memref<1x128xi32, #tpu.memory_space<vmem>>
    %dma_wait3A_177 = tpu.memref_squeeze %dma_wait3A_176 : memref<1x128xi32, #tpu.memory_space<vmem>> -> memref<128xi32, #tpu.memory_space<vmem>>
    %dma_wait3A_178 = arith.constant 0 : i32
    %dma_wait3A_179 = arith.constant 0 : i32
    %dma_wait3A_180 = tpu.memref_slice %arg3[%dma_wait3A_178, %dma_wait3A_179] : memref<8192x128xf32, #tpu.memory_space<hbm>> -> memref<8192x128xf32, #tpu.memory_space<hbm>>
    tpu.wait_indirect_dma semaphore(%arg13 : memref<!tpu.dma_semaphore, #tpu.memory_space<semaphore_mem>>) src(%dma_wait3A_180 : memref<8192x128xf32, #tpu.memory_space<hbm>>) dst(%arg9 : memref<128x128xf32, #tpu.memory_space<vmem>>)
    %add3A_181 = arith.constant 896 : i32
    %add3A_182 = arith.addi %mul3A_2, %add3A_181 : i32
    %dma_start3A_183 = arith.constant 0 : i32
    %dma_start3A_184 = tpu.memref_slice %arg4[%add3A_182, %dma_start3A_183] : memref<32768x128xf32, #tpu.memory_space<hbm>> -> memref<128x128xf32, #tpu.memory_space<hbm>>
    %dma_start3A_185 = arith.constant 0 : i32
    %dma_start3A_186 = tpu.memref_slice %arg4[%add3A_182, %dma_start3A_185] : memref<32768x128xf32, #tpu.memory_space<hbm>> -> memref<128x128xf32, #tpu.memory_space<hbm>>
    tpu.enqueue_dma source(%arg9 : memref<128x128xf32, #tpu.memory_space<vmem>>) target(%dma_start3A_186 : memref<128x128xf32, #tpu.memory_space<hbm>>) target_semaphore(%arg17 : memref<!tpu.dma_semaphore, #tpu.memory_space<semaphore_mem>>)
    %add3A_187 = arith.constant 512 : i32
    %add3A_188 = arith.addi %mul3A_2, %add3A_187 : i32
    %dma_wait3A_189 = arith.constant 0 : i32
    %dma_wait3A_190 = tpu.memref_slice %arg4[%add3A_188, %dma_wait3A_189] : memref<32768x128xf32, #tpu.memory_space<hbm>> -> memref<128x128xf32, #tpu.memory_space<hbm>>
    %dma_wait3A_191 = arith.constant 0 : i32
    %dma_wait3A_192 = tpu.memref_slice %arg4[%add3A_188, %dma_wait3A_191] : memref<32768x128xf32, #tpu.memory_space<hbm>> -> memref<128x128xf32, #tpu.memory_space<hbm>>
    tpu.wait_dma2 semaphore(%arg14 : memref<!tpu.dma_semaphore, #tpu.memory_space<semaphore_mem>>) src(%arg6 : memref<128x128xf32, #tpu.memory_space<vmem>>) dst(%dma_wait3A_192 : memref<128x128xf32, #tpu.memory_space<hbm>>)
    %add3A_193 = arith.constant 640 : i32
    %add3A_194 = arith.addi %mul3A_2, %add3A_193 : i32
    %dma_wait3A_195 = arith.constant 0 : i32
    %dma_wait3A_196 = tpu.memref_slice %arg4[%add3A_194, %dma_wait3A_195] : memref<32768x128xf32, #tpu.memory_space<hbm>> -> memref<128x128xf32, #tpu.memory_space<hbm>>
    %dma_wait3A_197 = arith.constant 0 : i32
    %dma_wait3A_198 = tpu.memref_slice %arg4[%add3A_194, %dma_wait3A_197] : memref<32768x128xf32, #tpu.memory_space<hbm>> -> memref<128x128xf32, #tpu.memory_space<hbm>>
    tpu.wait_dma2 semaphore(%arg15 : memref<!tpu.dma_semaphore, #tpu.memory_space<semaphore_mem>>) src(%arg7 : memref<128x128xf32, #tpu.memory_space<vmem>>) dst(%dma_wait3A_198 : memref<128x128xf32, #tpu.memory_space<hbm>>)
    %add3A_199 = arith.constant 768 : i32
    %add3A_200 = arith.addi %mul3A_2, %add3A_199 : i32
    %dma_wait3A_201 = arith.constant 0 : i32
    %dma_wait3A_202 = tpu.memref_slice %arg4[%add3A_200, %dma_wait3A_201] : memref<32768x128xf32, #tpu.memory_space<hbm>> -> memref<128x128xf32, #tpu.memory_space<hbm>>
    %dma_wait3A_203 = arith.constant 0 : i32
    %dma_wait3A_204 = tpu.memref_slice %arg4[%add3A_200, %dma_wait3A_203] : memref<32768x128xf32, #tpu.memory_space<hbm>> -> memref<128x128xf32, #tpu.memory_space<hbm>>
    tpu.wait_dma2 semaphore(%arg16 : memref<!tpu.dma_semaphore, #tpu.memory_space<semaphore_mem>>) src(%arg8 : memref<128x128xf32, #tpu.memory_space<vmem>>) dst(%dma_wait3A_204 : memref<128x128xf32, #tpu.memory_space<hbm>>)
    %add3A_205 = arith.constant 896 : i32
    %add3A_206 = arith.addi %mul3A_2, %add3A_205 : i32
    %dma_wait3A_207 = arith.constant 0 : i32
    %dma_wait3A_208 = tpu.memref_slice %arg4[%add3A_206, %dma_wait3A_207] : memref<32768x128xf32, #tpu.memory_space<hbm>> -> memref<128x128xf32, #tpu.memory_space<hbm>>
    %dma_wait3A_209 = arith.constant 0 : i32
    %dma_wait3A_210 = tpu.memref_slice %arg4[%add3A_206, %dma_wait3A_209] : memref<32768x128xf32, #tpu.memory_space<hbm>> -> memref<128x128xf32, #tpu.memory_space<hbm>>
    tpu.wait_dma2 semaphore(%arg17 : memref<!tpu.dma_semaphore, #tpu.memory_space<semaphore_mem>>) src(%arg9 : memref<128x128xf32, #tpu.memory_space<vmem>>) dst(%dma_wait3A_210 : memref<128x128xf32, #tpu.memory_space<hbm>>)
    return
  }
}

</mosaic_0001>

<sc_bundles>
// kernel: kernel.3.cloned.1.call-start
scs
__scs_entry_jumppad:
0x0: {  	(pc) =	sbr.rel $0x88, $3  }
0x1: {  	(tag) =	ssettag $0x0;
	lr =	simm.s32 $0x1  }
0x2: {  	[smem:$0x3F9F] =	sst lr;
	_ =	strace $0xD0000000  }
0x3: {  	_ = 	snop  }
0x4: {  	_ = 	snop  }
0x5: {  	_ = 	snop  }
0x6: {  	_ = 	snop  }
0x7: {  	_ = 	snop  }
__scs_overlays_trampoline_lowered:
0x8: {  	[smem:$0x3FAE] =	sst s0  }
0x9: {  	[smem:$0x3FAF] =	sst s1  }
0xa: {  	[smem:$0x3FB0] =	sst s2  }
0xb: {  	[smem:$0x3FB1] =	sst s3  }
0xc: {  	[smem:$0x3FB2] =	sst s4  }
0xd: {  	[smem:$0x3FB3] =	sst s5  }
0xe: {  	[smem:$0x3FB4] =	sst s6  }
0xf: {  	[smem:$0x3FB5] =	sst s7  }
0x10: {  	[smem:$0x3FB6] =	sst s8  }
0x11: {  	[smem:$0x3FB7] =	sst s9;
	s0 =	simm.s32 @!p0 $0x0  }
0x12: {  	s1 =	sld [smem:$0x3F9D];
	s0 =	simm.s32 @p0 $0x1  }
0x13: {  	[smem:$0x3FB8] =	sst s0;
	s0 =	simm.s32 @!p1 $0x0  }
0x14: {  	s2 =	sld [smem:$0x3F9C];
	s0 =	simm.s32 @p1 $0x1  }
0x15: {  	[smem:$0x3FB9] =	sst s0;
	s0 =	simm.s32 @!p2 $0x0  }
0x16: {  	s3 =	sld [smem:$0x3FDB];
	s0 =	simm.s32 @p2 $0x1  }
0x17: {  	s4 =	simm.s32 $0x1BF5;
	[smem:$0x3FBB] =	sst s0  }
0x18: {  	s0 =	sld [smem:$0x3F9E];
	_ =	swait.ge [sflag:s4], $0x0  }
0x19: {  	s7 =	sld [smem:$0x3F9F]  }
0x1a: {  	s8 =	sadd.s32 $0xFFFFE003, lr  }
0x1b: {  	s9 =	sadd.s32 $0xFFFFFEF7, lr;
	s5 =	simm.s32 $0xFFFFFFFF;
	p2 =	slt.u32 s8, $0xFFFFF086  }
0x1c: {  	p1 =	slt.u32 s9, $0xF7A;
	s5 =	simm.s32 @!p2 $0x0  }
0x1d: {  	s5 =	simm.s32 @p1 $0x1;
	p0 =	seq.s32 s7, s2  }
0x1e: {  	s7 =	smul.u32 @!p0 $0xF7A, s2;
	p2 =	seq.s32 @!p0 s5, $0x0  }
0x1f: {  	s9 =	smul.u32 $0xF7A, s1;
	s8 =	simm.s32 @!p0 $0x1BF5;
	p2 =	por !p2, p0  }
0x20: {  	[sflag:s8] =	ssyncset.s32 @!p0 $0xFFFFF086;
	s6 =	sadd.s32 @!p0 s3, s7;
	s7 =	simm.s32 @!p0 $0x108  }
0x21: {  	s3 =	sadd.s32 s3, s9;
	s6 =	sadd.s32 @!p0 $0x88, s6;
	s7 =	simm.s32 @p2 $0x1082  }
0x22: {  	[simem:s7], [sflag:s8] =	dma.local @!p0 [hbm:s6], $0xF7A  }
0x23: {  	s9 =	sor.u32 $0xD0000000, s2;
	s6 =	simm.s32 $0x108;
	_ =	swait.ge @!p0 [sflag:s8], $0x0  }
0x24: {  	s3 =	sadd.s32 $0x88, s3;
	s6 =	simm.s32 @!p1 $0x1082;
	[sflag:s4] =	ssyncset.s32 $0xFFFFF086  }
0x25: {  	[simem:s6], [sflag:s4] =	dma.local [hbm:s3], $0xF7A  }
0x26: {  	[smem:$0x3F9F] =	sst s1;
	(tag) =	ssettag s2;
	_ =	strace s9  }
0x27: {  	s1 =	sld [smem:$0x3FAF]  }
0x28: {  	s2 =	sld [smem:$0x3FB0]  }
0x29: {  	s4 =	sld [smem:$0x3FB2]  }
0x2a: {  	p0 =	seq.s32 s5, $0x0;
	s5 =	sld [smem:$0x3FB3]  }
0x2b: {  	s6 =	sld [smem:$0x3FB4]  }
0x2c: {  	s7 =	sld [smem:$0x3FB5]  }
0x2d: {  	s3 =	simm.s32 $0x108;
	s8 =	sld [smem:$0x3FB6]  }
0x2e: {  	s3 =	simm.s32 @!p0 $0x1082;
	s9 =	sld [smem:$0x3FB7]  }
0x2f: {  	lr =	sadd.s32 s0, s3;
	s0 =	sld [smem:$0x3FAE]  }
0x30: {  	s3 =	sld [smem:$0x3FB1]  }
0x31: {  	[smem:$0x3FBA] =	sst s10  }
0x32: {  	s10 =	sld [smem:$0x3FB8];
	_ =	sdelay $0x3  }
0x33: {  	p0 =	seq.s32 s10, $0x1;
	s10 =	sld [smem:$0x3FBA];
	_ =	sdelay $0x3  }
0x34: {  	[smem:$0x3FBA] =	sst s10  }
0x35: {  	s10 =	sld [smem:$0x3FB9];
	_ =	sdelay $0x3  }
0x36: {  	p1 =	seq.s32 s10, $0x1;
	s10 =	sld [smem:$0x3FBA];
	_ =	sdelay $0x3  }
0x37: {  	[smem:$0x3FBA] =	sst s10  }
0x38: {  	s10 =	sld [smem:$0x3FBB]  }
0x39: {  	_ = 	snop;
	(pc) =	sbr.ind lr, $3  }
0x3a: {  	_ = 	snop  }
0x3b: {  	_ = 	snop  }
0x3c: {  	p2 =	seq.s32 s10, $0x1;
	s10 =	sld [smem:$0x3FBA]  }
0x3d: {  	_ =	shalt  }
0x3e: {  	_ =	shalt  }
0x3f: {  	_ =	shalt  }
0x40: {  	_ =	shalt  }
0x41: {  	_ =	shalt  }
0x42: {  	_ =	shalt  }
0x43: {  	_ =	shalt  }
0x44: {  	_ =	shalt  }
0x45: {  	_ =	shalt  }
0x46: {  	_ =	shalt  }
0x47: {  	_ =	shalt  }
0x48: {  	_ =	shalt  }
0x49: {  	_ =	shalt  }
0x4a: {  	_ =	shalt  }
0x4b: {  	_ =	shalt  }
0x4c: {  	_ =	shalt  }
0x4d: {  	_ =	shalt  }
0x4e: {  	_ =	shalt  }
0x4f: {  	_ =	shalt  }
0x50: {  	_ =	shalt  }
0x51: {  	_ =	shalt  }
0x52: {  	_ =	shalt  }
0x53: {  	_ =	shalt  }
0x54: {  	_ =	shalt  }
0x55: {  	_ =	shalt  }
0x56: {  	_ =	shalt  }
0x57: {  	_ =	shalt  }
0x58: {  	_ =	shalt  }
0x59: {  	_ =	shalt  }
0x5a: {  	_ =	shalt  }
0x5b: {  	_ =	shalt  }
0x5c: {  	_ =	shalt  }
0x5d: {  	_ =	shalt  }
0x5e: {  	_ =	shalt  }
0x5f: {  	_ =	shalt  }
0x60: {  	_ =	shalt  }
0x61: {  	_ =	shalt  }
0x62: {  	_ =	shalt  }
0x63: {  	_ =	shalt  }
0x64: {  	_ =	shalt  }
0x65: {  	_ =	shalt  }
0x66: {  	_ =	shalt  }
0x67: {  	_ =	shalt  }
0x68: {  	_ =	shalt  }
0x69: {  	_ =	shalt  }
0x6a: {  	_ =	shalt  }
0x6b: {  	_ =	shalt  }
0x6c: {  	_ =	shalt  }
0x6d: {  	_ =	shalt  }
0x6e: {  	_ =	shalt  }
0x6f: {  	_ =	shalt  }
0x70: {  	_ =	shalt  }
0x71: {  	_ =	shalt  }
0x72: {  	_ =	shalt  }
0x73: {  	_ =	shalt  }
0x74: {  	_ =	shalt  }
0x75: {  	_ =	shalt  }
0x76: {  	_ =	shalt  }
0x77: {  	_ =	shalt  }
0x78: {  	_ =	shalt  }
0x79: {  	_ =	shalt  }
0x7a: {  	_ =	shalt  }
0x7b: {  	_ =	shalt  }
0x7c: {  	_ =	shalt  }
0x7d: {  	_ =	shalt  }
0x7e: {  	_ =	shalt  }
0x7f: {  	_ =	shalt  }
0x80: {  	_ =	shalt  }
0x81: {  	_ =	shalt  }
0x82: {  	_ =	shalt  }
0x83: {  	_ =	shalt  }
0x84: {  	_ =	shalt  }
0x85: {  	_ =	shalt  }
0x86: {  	_ =	shalt  }
0x87: {  	_ =	shalt  }
.Lfunc_end0:
.L_simem_size_0:
called_computation_lowered:
.L_overlay_start_0:
0x88: {  	s2 =	sld [smem:$0x3FD9]  }
0x89: {  	s3 =	sld [smem:$0x3FFE];
	_ =	sdelay $0x1  }
0x8a: {  	s1 =	srdreg.scid  }
0x8b: {  	s0 =	sand.u32 $0x1, s1  }
0x8c: {  	s17 =	sshll.u32 s0, $0xA;
	s2 =	sadd.s32 s3, s2  }
0x8d: {  	s2 =	sadd.s32 s2, s17  }
0x8e: {  	[smem:$0x3FC6] =	sst s2  }
0x8f: {  	_ = 	snop  }
0x90: {  	s2 =	sld [smem:$0x3FC8]  }
0x91: {  	s18 =	sld [smem:$0x3FD0];
	(tm) =	ssettm $0x1  }
0x92: {  	s4 =	sld [smem:$0x3FFB];
	_ =	sdelay $0x3  }
0x93: {  	_ =	strace s4  }
0x94: {  	s4 =	sld [smem:$0x3FFC];
	_ =	sdelay $0x3  }
0x95: {  	_ =	strace s4  }
0x96: {  	s4 =	sld [smem:$0x3FFD];
	_ =	sdelay $0x3  }
0x97: {  	_ =	strace s4  }
0x98: {  	_ =	strace $0x8FFFFFFF  }
0x99: {  	s19 =	sld [smem:$0x3FDB];
	_ =	sdelay $0x1  }
0x9a: {  	s5 =	simm.s32 $_scs_section_size  }
0x9b: {  	s6 =	simm.s32 $_size__tile_overlayer_lowered;
	s7 =	simm.s32 $_tile_overlayer_lowered  }
0x9c: {  	s22 =	simm.s32 $0x1BFF;
	s21 =	sshll.u32 s7, $0x1;
	s4 =	sadd.s32 s5, s19  }
0x9d: {  	s8 =	simm.s32 $0x0;
	s20 =	sshll.u32 s6, $0x1;
	s6 =	sadd.s32 s21, s4  }
0x9e: {  	[timem:s8], [sflag:s22] =	dma.local [hbm:s6], s20  }
0x9f: {  	_ =	swait.ge [sflag:s22], s20  }
0xa0: {  	s5 =	ssub.s32 $0x0, s20;
	[sflag:s22] =	ssyncset.done $0x0  }
0xa1: {  	[sflag:s22] =	ssyncadd.s32 s5;
	_ =	sdelay $0x1  }
0xa2: {  	s23 =	simm.s32 $0x1B8B  }
0xa3: {  	_ =	swait.ge [sflag:s23], $0x1  }
0xa4: {  	[sflag:s23] =	ssyncset.done $0x0  }
0xa5: {  	s25 =	simm.s32 $0x1B8E;
	s24 =	sld [smem:$0x3FFE];
	[sflag:s23] =	ssyncadd.s32 $0xFFFFFFFF  }
0xa6: {  	s26 =	simm.s32 $execute0_lowered;
	[smem:$0x3FD2] =	sst s25  }
0xa7: {  	s6 =	sshll.u32 s26, $0x1;
	_ =	strace $0x80000046;
	[dreg:$0x1] =	wrdreg $0xFFFFFFFF  }
0xa8: {  	s28 =	simm.s32 $_size_execute0_lowered;
	s4 =	sadd.s32 s4, s6;
	[dreg:$0x0] =	wrdreg $0x0  }
0xa9: {  	s6 =	sshll.u32 s28, $0x1;
	[dreg:$0x2] =	wrdreg s4  }
0xaa: {  	[dreg:$0x3] =	wrdreg s6  }
0xab: {  	[dreg:$0x4] =	wrdreg $0xC0  }
0xac: {  	_ =	task [dreg:s8], $0x5FFFF  }
0xad: {  	[dreg:$0x1] =	wrdreg $0xFFFFFFFF  }
0xae: {  	[dreg:$0x0] =	wrdreg $0x60  }
0xaf: {  	[dreg:$0x2] =	wrdreg s24  }
0xb0: {  	[dreg:$0x3] =	wrdreg s2  }
0xb1: {  	[dreg:$0x4] =	wrdreg s18  }
0xb2: {  	[dreg:$0x5] =	wrdreg $0x9  }
0xb3: {  	_ =	task.clear_ibuf [dreg:s8], $0x6FFFF;
	_ =	strace $0x90000046  }
0xb4: {  	s29 =	simm.s32 $0x9;
	_ =	strace $0x80000048  }
0xb5: {  	_ =	swait.ge [sflag:s29], $0x1  }
0xb6: {  	[sflag:s29] =	ssyncadd.s32 $0xFFFFFFFF  }
0xb7: {  	_ =	strace $0x90000048  }
0xb8: {  	_ =	sfence  }
0xb9: {  	s30 =	sld [smem:$0x0];
	_ =	sdelay $0x2  }
0xba: {  	s31 =	sshll.u32 s1, $0xD;
	s1 =	sshrl.u32 s1, $0x2  }
0xbb: {  	s3 =	sand.u32 $0x4000, s31;
	s1 =	sadd.s32 s1, s30  }
0xbc: {  	s0 =	sor.u32 s3, s0;
	s1 =	sshll.u32 s1, $0x11  }
0xbd: {  	s0 =	sor.u32 s1, s0  }
0xbe: {  	s0 =	sadd.s32 $0x8F2B, s0  }
0xbf: {  	[sflag:s0] =	ssyncadd.remote.s32 $0x1  }
0xc0: {  	_ =	sfence.sel $0xFFFF  }
0xc1: {  	[dreg:$0x0] =	wrdreg $0xFFFFFFFF;
	(pc) =	sbr.abs _section_cstart, $3  }
0xc2: {  	[dreg:$0x1] =	wrdreg $0xFFFFFFFF  }
0xc3: {  	_ =	task.clear_ibuf [dreg:s8], $0x2FFFF;
	_ =	strace $0x9FFFFFFF  }
0xc4: {  	(tm) =	ssettm $0x7FFFFFFF  }
0xc5: {  	_ =	shalt  }
tec
execute0_lowered:
.L_overlay_start_1:
0x0: {  	(tag) =	ssettag $0x1  }
0x1: {  	s1 =	srdreg.scid;
	s0 =	stileid.u32  }
0x2: {  	s1 =	sand.u32 $0x1, s1;
	s3 =	sshll.u32 s0, $0x1  }
0x3: {  	s4 =	rddreg [dreg:$0x0];
	s6 =	sor.u32 s1, s3  }
0x4: {  	s2 =	rddreg [dreg:$0x1];
	s7 =	sshll.u32 s6, $0x7  }
0x5: {  	s5 =	rddreg [dreg:$0x2];
	s3 =	simm.s32 $0x0;
	s4 =	sadd.s32 s7, s4  }
0x6: {  	[smem:$0x7FF] =	sst s3;
	s25 =	sshll.u32 s6, $0xE;
	s4 =	sadd.s32 $0x400, s4  }
0x7: {  	_ =	strace $0x80000047;
	[dreg:$0x4] =	wrdreg s4;
	s4 =	sadd.s32 s5, s25  }
0x8: {  	s26 =	rddreg [dreg:$0x4];
	s5 =	sadd.s32 $0x800, s4  }
0x9: {  	[dreg:$0x5] =	wrdreg s5;
	s5 =	simm.s32 $0x9  }
0xa: {  	[tilespmem:s3], [sflag:$0x9] =	stream.linear.gather [hbm4b:s26+s3], $0x400, $0x38;
	[tilespmem:$0x10400] =	vst v63  }
0xb: {  	_ =	swait.ge [sflag:s5], $0x400  }
0xc: {  	[sflag:s5] =	ssyncset.done $0x0  }
0xd: {  	s6 =	simm.s32 $0x80;
	s7 =	simm.s32 $0x400;
	[sflag:s5] =	ssyncadd.s32 $0xFFFFFC00  }
0xe: {  	[tilespmem:s7], [sflag:$0x1] =	stream.indirect.gather [hbm4b:s2+s6], $0x80, s3, s6, $0xb8;
	[tilespmem:$0x10400] =	vst v63  }
0xf: {  	s8 =	simm.s32 $0x4400  }
0x10: {  	[tilespmem:s8], [sflag:$0x2] =	stream.indirect.gather [hbm4b:s2+s6], $0x80, s6, s6, $0xb8;
	[tilespmem:$0x10400] =	vst v63  }
0x11: {  	s9 =	simm.s32 $0x100;
	s10 =	simm.s32 $0x8400  }
0x12: {  	[tilespmem:s10], [sflag:$0x3] =	stream.indirect.gather [hbm4b:s2+s6], $0x80, s9, s6, $0xb8;
	[tilespmem:$0x10400] =	vst v63  }
0x13: {  	s11 =	simm.s32 $0x180;
	s12 =	simm.s32 $0xC400;
	s13 =	simm.s32 $0x1  }
0x14: {  	[tilespmem:s12], [sflag:$0x4] =	stream.indirect.gather [hbm4b:s2+s6], $0x80, s11, s6, $0xb8;
	[tilespmem:$0x10400] =	vst v63  }
0x15: {  	_ =	swait.ge [sflag:s13], $0x4000  }
0x16: {  	[sflag:s13] =	ssyncset.done $0x0  }
0x17: {  	s14 =	simm.s32 $0x2;
	[sflag:s13] =	ssyncadd.s32 $0xFFFFC000  }
0x18: {  	[hbm4b:s4+s3] =	stream.linear.scatter [tilespmem:s7], [sflag:$0x5], $0x4000, $0x38;
	[tilespmem:$0x10400] =	vst v63  }
0x19: {  	_ =	swait.ge [sflag:s14], $0x4000  }
0x1a: {  	[sflag:s14] =	ssyncset.done $0x0  }
0x1b: {  	s15 =	simm.s32 $0x5;
	s16 =	rddreg [dreg:$0x5];
	[sflag:s14] =	ssyncadd.s32 $0xFFFFC000  }
0x1c: {  	[hbm4b:s16+s3] =	stream.linear.scatter [tilespmem:s8], [sflag:$0x6], $0x4000, $0x38;
	[tilespmem:$0x10400] =	vst v63  }
0x1d: {  	_ =	swait.ge [sflag:s15], $0x4000  }
0x1e: {  	[sflag:s15] =	ssyncset.done $0x0  }
0x1f: {  	s17 =	simm.s32 $0x3;
	s16 =	simm.s32 $0x200;
	[sflag:s15] =	ssyncadd.s32 $0xFFFFC000  }
0x20: {  	[tilespmem:s7], [sflag:$0x1] =	stream.indirect.gather [hbm4b:s2+s6], $0x80, s16, s6, $0xb8;
	[tilespmem:$0x10400] =	vst v63  }
0x21: {  	_ =	swait.ge [sflag:s17], $0x4000  }
0x22: {  	[sflag:s17] =	ssyncset.done $0x0  }
0x23: {  	s19 =	simm.s32 $0x6;
	s18 =	sadd.s32 $0x1000, s4;
	[sflag:s17] =	ssyncadd.s32 $0xFFFFC000  }
0x24: {  	[hbm4b:s18+s3] =	stream.linear.scatter [tilespmem:s10], [sflag:$0x7], $0x4000, $0x38;
	[tilespmem:$0x10400] =	vst v63  }
0x25: {  	_ =	swait.ge [sflag:s19], $0x4000  }
0x26: {  	[sflag:s19] =	ssyncset.done $0x0  }
0x27: {  	s20 =	simm.s32 $0x280;
	s21 =	simm.s32 $0x4;
	[sflag:s19] =	ssyncadd.s32 $0xFFFFC000  }
0x28: {  	[tilespmem:s8], [sflag:$0x2] =	stream.indirect.gather [hbm4b:s2+s6], $0x80, s20, s6, $0xb8;
	[tilespmem:$0x10400] =	vst v63  }
0x29: {  	_ =	swait.ge [sflag:s21], $0x4000  }
0x2a: {  	[sflag:s21] =	ssyncset.done $0x0  }
0x2b: {  	s23 =	simm.s32 $0x7;
	s22 =	sadd.s32 $0x1800, s4;
	[sflag:s21] =	ssyncadd.s32 $0xFFFFC000  }
0x2c: {  	[hbm4b:s22+s3] =	stream.linear.scatter [tilespmem:s12], [sflag:$0x8], $0x4000, $0x38;
	[tilespmem:$0x10400] =	vst v63  }
0x2d: {  	_ =	swait.ge [sflag:s23], $0x4000  }
0x2e: {  	[sflag:s23] =	ssyncset.done $0x0  }
0x2f: {  	s24 =	simm.s32 $0x300;
	[sflag:s23] =	ssyncadd.s32 $0xFFFFC000  }
0x30: {  	[tilespmem:s10], [sflag:$0x3] =	stream.indirect.gather [hbm4b:s2+s6], $0x80, s24, s6, $0xb8;
	[tilespmem:$0x10400] =	vst v63  }
0x31: {  	_ =	swait.ge [sflag:s13], $0x4000  }
0x32: {  	[sflag:s13] =	ssyncset.done $0x0  }
0x33: {  	s25 =	simm.s32 $0x8;
	s26 =	sadd.s32 $0x2000, s4;
	[sflag:s13] =	ssyncadd.s32 $0xFFFFC000  }
0x34: {  	[hbm4b:s26+s3] =	stream.linear.scatter [tilespmem:s7], [sflag:$0x5], $0x4000, $0x38;
	[tilespmem:$0x10400] =	vst v63  }
0x35: {  	_ =	swait.ge [sflag:s25], $0x4000  }
0x36: {  	[sflag:s25] =	ssyncset.done $0x0  }
0x37: {  	s28 =	simm.s32 $0x380;
	[sflag:s25] =	ssyncadd.s32 $0xFFFFC000  }
0x38: {  	[tilespmem:s12], [sflag:$0x4] =	stream.indirect.gather [hbm4b:s2+s6], $0x80, s28, s6, $0xb8;
	[tilespmem:$0x10400] =	vst v63  }
0x39: {  	_ =	swait.ge [sflag:s14], $0x4000  }
0x3a: {  	[sflag:s14] =	ssyncset.done $0x0  }
0x3b: {  	s29 =	sadd.s32 $0x2800, s4;
	[sflag:s14] =	ssyncadd.s32 $0xFFFFC000  }
0x3c: {  	[hbm4b:s29+s3] =	stream.linear.scatter [tilespmem:s8], [sflag:$0x6], $0x4000, $0x38;
	[tilespmem:$0x10400] =	vst v63  }
0x3d: {  	_ =	swait.ge [sflag:s17], $0x4000  }
0x3e: {  	[sflag:s17] =	ssyncset.done $0x0  }
0x3f: {  	s30 =	sadd.s32 $0x3000, s4;
	[sflag:s17] =	ssyncadd.s32 $0xFFFFC000  }
0x40: {  	[hbm4b:s30+s3] =	stream.linear.scatter [tilespmem:s10], [sflag:$0x7], $0x4000, $0x38;
	[tilespmem:$0x10400] =	vst v63  }
0x41: {  	_ =	swait.ge [sflag:s21], $0x4000  }
0x42: {  	[sflag:s21] =	ssyncset.done $0x0  }
0x43: {  	s31 =	sadd.s32 $0x3800, s4;
	[sflag:s21] =	ssyncadd.s32 $0xFFFFC000  }
0x44: {  	[hbm4b:s31+s3] =	stream.linear.scatter [tilespmem:s12], [sflag:$0x8], $0x4000, $0x38;
	[tilespmem:$0x10400] =	vst v63  }
0x45: {  	s1 =	ssub.s32 $0x2, s1;
	_ =	swait.ge [sflag:s15], $0x4000  }
0x46: {  	s0 =	sshrl.u32 s1, $0x1;
	[sflag:s15] =	ssyncset.done $0x0  }
0x47: {  	s0 =	ssub.s32 s1, s0;
	[sflag:s15] =	ssyncadd.s32 $0xFFFFC000  }
0x48: {  	s0 =	smax.u32 s0, $0x1;
	_ =	swait.ge [sflag:s19], $0x4000  }
0x49: {  	p0 =	sne.s32 s0, $0x1;
	[sflag:s19] =	ssyncset.done $0x0  }
.Ltmp0:
0x4a: {  	[sflag:s19] =	ssyncadd.s32 $0xFFFFC000;
	(pc) =	sbr.rel @!p0 .LBB2_2-.Ltmp0, $4  }
0x4b: {  	_ =	swait.ge [sflag:s23], $0x4000  }
0x4c: {  	[sflag:s23] =	ssyncset.done $0x0  }
0x4d: {  	[sflag:s23] =	ssyncadd.s32 $0xFFFFC000  }
0x4e: {  	s1 =	sadd.s32 $0xFFFFFFFF, s0;
	_ =	swait.ge [sflag:s25], $0x4000  }
.LBB2_1:
0x4f: {  	[sflag:s25] =	ssyncset.done $0x0  }
0x50: {  	s0 =	rddreg [dreg:$0x4];
	[sflag:s25] =	ssyncadd.s32 $0xFFFFC000  }
0x51: {  	[tilespmem:s3], [sflag:$0x9] =	stream.linear.gather [hbm4b:s0+s3], $0x400, $0x38;
	[tilespmem:$0x10400] =	vst v63  }
0x52: {  	_ =	swait.ge [sflag:s5], $0x400  }
0x53: {  	[sflag:s5] =	ssyncset.done $0x0  }
0x54: {  	[sflag:s5] =	ssyncadd.s32 $0xFFFFFC00  }
0x55: {  	[tilespmem:s7], [sflag:$0x1] =	stream.indirect.gather [hbm4b:s2+s6], $0x80, s3, s6, $0xb8;
	[tilespmem:$0x10400] =	vst v63  }
0x56: {  	_ = 	snop  }
0x57: {  	[tilespmem:s8], [sflag:$0x2] =	stream.indirect.gather [hbm4b:s2+s6], $0x80, s6, s6, $0xb8;
	[tilespmem:$0x10400] =	vst v63  }
0x58: {  	_ = 	snop  }
0x59: {  	[tilespmem:s10], [sflag:$0x3] =	stream.indirect.gather [hbm4b:s2+s6], $0x80, s9, s6, $0xb8;
	[tilespmem:$0x10400] =	vst v63  }
0x5a: {  	_ = 	snop  }
0x5b: {  	[tilespmem:s12], [sflag:$0x4] =	stream.indirect.gather [hbm4b:s2+s6], $0x80, s11, s6, $0xb8;
	[tilespmem:$0x10400] =	vst v63  }
0x5c: {  	_ =	swait.ge [sflag:s13], $0x4000  }
0x5d: {  	[sflag:s13] =	ssyncset.done $0x0  }
0x5e: {  	[sflag:s13] =	ssyncadd.s32 $0xFFFFC000  }
0x5f: {  	[hbm4b:s4+s3] =	stream.linear.scatter [tilespmem:s7], [sflag:$0x5], $0x4000, $0x38;
	[tilespmem:$0x10400] =	vst v63  }
0x60: {  	_ =	swait.ge [sflag:s14], $0x4000  }
0x61: {  	[sflag:s14] =	ssyncset.done $0x0  }
0x62: {  	s0 =	rddreg [dreg:$0x5];
	[sflag:s14] =	ssyncadd.s32 $0xFFFFC000  }
0x63: {  	[hbm4b:s0+s3] =	stream.linear.scatter [tilespmem:s8], [sflag:$0x6], $0x4000, $0x38;
	[tilespmem:$0x10400] =	vst v63  }
0x64: {  	_ =	swait.ge [sflag:s15], $0x4000  }
0x65: {  	[sflag:s15] =	ssyncset.done $0x0  }
0x66: {  	[sflag:s15] =	ssyncadd.s32 $0xFFFFC000  }
0x67: {  	[tilespmem:s7], [sflag:$0x1] =	stream.indirect.gather [hbm4b:s2+s6], $0x80, s16, s6, $0xb8;
	[tilespmem:$0x10400] =	vst v63  }
0x68: {  	_ =	swait.ge [sflag:s17], $0x4000  }
0x69: {  	[sflag:s17] =	ssyncset.done $0x0  }
0x6a: {  	[sflag:s17] =	ssyncadd.s32 $0xFFFFC000  }
0x6b: {  	[hbm4b:s18+s3] =	stream.linear.scatter [tilespmem:s10], [sflag:$0x7], $0x4000, $0x38;
	[tilespmem:$0x10400] =	vst v63  }
0x6c: {  	_ =	swait.ge [sflag:s19], $0x4000  }
0x6d: {  	[sflag:s19] =	ssyncset.done $0x0  }
0x6e: {  	[sflag:s19] =	ssyncadd.s32 $0xFFFFC000  }
0x6f: {  	[tilespmem:s8], [sflag:$0x2] =	stream.indirect.gather [hbm4b:s2+s6], $0x80, s20, s6, $0xb8;
	[tilespmem:$0x10400] =	vst v63  }
0x70: {  	_ =	swait.ge [sflag:s21], $0x4000  }
0x71: {  	[sflag:s21] =	ssyncset.done $0x0  }
0x72: {  	[sflag:s21] =	ssyncadd.s32 $0xFFFFC000  }
0x73: {  	[hbm4b:s22+s3] =	stream.linear.scatter [tilespmem:s12], [sflag:$0x8], $0x4000, $0x38;
	[tilespmem:$0x10400] =	vst v63  }
0x74: {  	_ =	swait.ge [sflag:s23], $0x4000  }
0x75: {  	[sflag:s23] =	ssyncset.done $0x0  }
0x76: {  	[sflag:s23] =	ssyncadd.s32 $0xFFFFC000  }
0x77: {  	[tilespmem:s10], [sflag:$0x3] =	stream.indirect.gather [hbm4b:s2+s6], $0x80, s24, s6, $0xb8;
	[tilespmem:$0x10400] =	vst v63  }
0x78: {  	_ =	swait.ge [sflag:s13], $0x4000  }
0x79: {  	[sflag:s13] =	ssyncset.done $0x0  }
0x7a: {  	[sflag:s13] =	ssyncadd.s32 $0xFFFFC000  }
0x7b: {  	[hbm4b:s26+s3] =	stream.linear.scatter [tilespmem:s7], [sflag:$0x5], $0x4000, $0x38;
	[tilespmem:$0x10400] =	vst v63  }
0x7c: {  	_ =	swait.ge [sflag:s25], $0x4000  }
0x7d: {  	[sflag:s25] =	ssyncset.done $0x0  }
0x7e: {  	[sflag:s25] =	ssyncadd.s32 $0xFFFFC000  }
0x7f: {  	[tilespmem:s12], [sflag:$0x4] =	stream.indirect.gather [hbm4b:s2+s6], $0x80, s28, s6, $0xb8;
	[tilespmem:$0x10400] =	vst v63  }
0x80: {  	_ =	swait.ge [sflag:s14], $0x4000  }
0x81: {  	[sflag:s14] =	ssyncset.done $0x0  }
0x82: {  	[sflag:s14] =	ssyncadd.s32 $0xFFFFC000  }
0x83: {  	[hbm4b:s29+s3] =	stream.linear.scatter [tilespmem:s8], [sflag:$0x6], $0x4000, $0x38;
	[tilespmem:$0x10400] =	vst v63  }
0x84: {  	_ =	swait.ge [sflag:s17], $0x4000  }
0x85: {  	[sflag:s17] =	ssyncset.done $0x0  }
0x86: {  	[sflag:s17] =	ssyncadd.s32 $0xFFFFC000  }
0x87: {  	[hbm4b:s30+s3] =	stream.linear.scatter [tilespmem:s10], [sflag:$0x7], $0x4000, $0x38;
	[tilespmem:$0x10400] =	vst v63  }
0x88: {  	_ =	swait.ge [sflag:s21], $0x4000  }
0x89: {  	[sflag:s21] =	ssyncset.done $0x0  }
0x8a: {  	[sflag:s21] =	ssyncadd.s32 $0xFFFFC000  }
0x8b: {  	[hbm4b:s31+s3] =	stream.linear.scatter [tilespmem:s12], [sflag:$0x8], $0x4000, $0x38;
	[tilespmem:$0x10400] =	vst v63  }
0x8c: {  	_ =	swait.ge [sflag:s15], $0x4000  }
0x8d: {  	[sflag:s15] =	ssyncset.done $0x0  }
0x8e: {  	[sflag:s15] =	ssyncadd.s32 $0xFFFFC000  }
0x8f: {  	_ =	swait.ge [sflag:s19], $0x4000  }
0x90: {  	p0 =	sne.s32 s1, $0x1;
	[sflag:s19] =	ssyncset.done $0x0  }
.Ltmp1:
0x91: {  	[sflag:s19] =	ssyncadd.s32 $0xFFFFC000;
	(pc) =	sbr.rel @p0 .LBB2_1-.Ltmp1, $4  }
0x92: {  	_ =	swait.ge [sflag:s23], $0x4000  }
0x93: {  	[sflag:s23] =	ssyncset.done $0x0  }
0x94: {  	[sflag:s23] =	ssyncadd.s32 $0xFFFFC000  }
0x95: {  	s1 =	sadd.s32 $0xFFFFFFFF, s1;
	_ =	swait.ge [sflag:s25], $0x4000  }
.LBB2_2:
0x96: {  	[sflag:s25] =	ssyncset.done $0x0  }
0x97: {  	[sflag:s25] =	ssyncadd.s32 $0xFFFFC000  }
0x98: {  	_ =	sfence.sel $0x180000  }
0x99: {  	[bflag:$0x0] =	sbarrier.arrive $0xFFFF  }
0x9a: {  	_ =	strace $0x90000047  }
0x9b: {  	s0 =	stileid.u32;
	[bflag:$0x2] =	sbarrier.arrive $0xFFFF  }
0x9c: {  	p0 =	sne.s32 s0, $0x0;
	s0 =	rddreg [dreg:$0x3]  }
0x9d: {  	s0 =	sadd.s32 @!p0 $0x100000, s0  }
0x9e: {  	[sflag:s0] =	ssyncadd.tile.s32 @!p0 $0x1;
	_ =	shalt  }
.Lfunc_end2:
_tile_overlayer_lowered:
.L_overlay_start_2:
0x9f: {  	(tag) =	ssettag $0x2  }
0xa0: {  	s0 =	rddreg [dreg:$0x0];
	s2 =	stileid.u32  }
0xa1: {  	s1 =	rddreg [dreg:$0x1];
	p0 =	sne.s32 s2, $0x0  }
0xa2: {  	s3 =	rddreg [dreg:$0x2];
	[bflag:$0x3] =	sbarrier.arrive $0xFFFF;
	s2 =	simm.s32 @!p0 $0x1C09  }
0xa3: {  	[timem:s3], [sflag:s2] =	dma.local @!p0 [hbm:s0], s1  }
0xa4: {  	s0 =	simm.s32 @!p0 $0x9  }
0xa5: {  	_ =	swait.ge @!p0 [sflag:s0], s1  }
0xa6: {  	s1 =	ssub.s32 @!p0 $0x0, s1;
	[sflag:s0] =	ssyncset.done @!p0 $0x0  }
0xa7: {  	[sflag:s0] =	ssyncadd.s32 @!p0 s1  }
0xa8: {  	[bflag:$0x3] =	sbarrier.arrive $0xFFFF  }
0xa9: {  	_ =	shalt  }

</sc_bundles>
